<compile_context>
chip_gen: v7x
topology: tpu7x:2x2x1
jax: 0.10.2.dev20260603
libtpu: 0.0.44.dev20260713+nightly
codegen_flags: <defaults>
</compile_context>

<pallas_src>
import functools
import jax
import jax.numpy as jnp
from jax import lax
from jax.experimental import pallas as pl
from jax.experimental.pallas import tpu as pltpu
from jax.experimental.pallas import tpu_sc as plsc

_L = 16
_BB = 4
_NB1 = 5


def _sc_lookup_body(col_hbm, row_hbm, pos_hbm, colbuf, rowbuf, chunk, sem):
    s = lax.axis_index("s")
    c = lax.axis_index("c")
    w = s * 2 + c
    pltpu.sync_copy(col_hbm.at[pl.ds(0, 32)], colbuf)
    pltpu.sync_copy(row_hbm.at[w], rowbuf)

    def body(i, _):
        for j in range(128 // _L):
            chunk[i, _L * j:_L * (j + 1)] = colbuf[i, _L * j:_L * (j + 1)]
            chunk[i, 128 + _L * j:128 + _L * (j + 1)] = rowbuf[_L * j:_L * (j + 1)]
        return 0

    lax.fori_loop(0, 32, body, 0)
    pltpu.sync_copy(chunk, pos_hbm.at[pl.ds(w * 32, 32), :])


def _tc_build_body(col_ref, row_ref, out_ref):
    BB, HW, D = out_ref.shape
    col = col_ref[...]
    row = row_ref[...]
    left = jnp.broadcast_to(col[None, :, :], (32, 32, 128)).reshape(HW, 128)
    right = jnp.broadcast_to(row[:, None, :], (32, 32, 128)).reshape(HW, 128)
    pos = jnp.concatenate([left, right], axis=-1)
    out_ref[...] = jnp.broadcast_to(pos[None], (BB, HW, D))


def _tc_fill_body(prev_ref, pos_ref, out_ref):
    BB, HW, D = out_ref.shape
    out_ref[...] = jnp.broadcast_to(pos_ref[...][None], (BB, HW, D))


def kernel(x, h, w, row_embed, col_embed):
    B, HW, D = x.shape

    mesh = plsc.VectorSubcoreMesh(core_axis_name="c", subcore_axis_name="s")
    sc_lookup = functools.partial(
        pl.kernel,
        mesh=mesh,
        out_type=jax.ShapeDtypeStruct((HW, D), jnp.float32),
        scratch_types=[
            pltpu.VMEM((32, 128), jnp.float32),
            pltpu.VMEM((128,), jnp.float32),
            pltpu.VMEM((32, 256), jnp.float32),
            pltpu.SemaphoreType.DMA,
        ],
    )(_sc_lookup_body)
    pos = sc_lookup(col_embed, row_embed)

    out1 = pl.pallas_call(
        _tc_build_body,
        grid=(_NB1,),
        in_specs=[
            pl.BlockSpec((32, 128), lambda b: (0, 0)),
            pl.BlockSpec((32, 128), lambda b: (0, 0)),
        ],
        out_specs=pl.BlockSpec((_BB, HW, D), lambda b: (b, 0, 0)),
        out_shape=jax.ShapeDtypeStruct((B, HW, D), jnp.float32),
    )(col_embed, row_embed)

    out = pl.pallas_call(
        _tc_fill_body,
        grid=(B // _BB - _NB1,),
        in_specs=[
            pl.BlockSpec((1, 8, 128), lambda b: (0, 0, 0)),
            pl.BlockSpec((HW, D), lambda b: (0, 0)),
        ],
        out_specs=pl.BlockSpec((_BB, HW, D), lambda b: (b + _NB1, 0, 0)),
        out_shape=jax.ShapeDtypeStruct((B, HW, D), jnp.float32),
        input_output_aliases={0: 0},
    )(out1, pos)
    return out

# --- scband reference (transcript-rebuilt; emitter-appended) ---
"""Pipeline reference for scband-position-encode-51685636440859 (READ-ONLY COPY).

The authoritative reference and input builder live on the scoring server;
editing this copy changes nothing except your own understanding.
"""

import jax, jax.numpy as jnp
import numpy as np


def setup_inputs(seed: int = 0) -> dict:
    key = jax.random.key(seed)
    k1, k2, k3 = jax.random.split(key, 3)
    x = jax.random.normal(k1, (32, 1024, 256), dtype=jnp.float32)
    # nn.Embedding(300, embed_dim // 2) with uniform_ init in [0, 1)
    row_embed = jax.random.uniform(k2, (300, 128), dtype=jnp.float32)
    col_embed = jax.random.uniform(k3, (300, 128), dtype=jnp.float32)
    return {"x": x, "h": 32, "w": 32, "row_embed": row_embed, "col_embed": col_embed}


def reference(x, h, w, row_embed, col_embed):
    hw = x.shape[1]
    H = int(np.sqrt(hw))
    W = int(np.sqrt(hw))
    i = jnp.arange(W) % w
    j = jnp.arange(H) % h
    x_emb = jnp.take(col_embed, i, axis=0)  # [w, d/2]
    y_emb = jnp.take(row_embed, j, axis=0)  # [h, d/2]
    pos = jnp.concatenate(
        [
            jnp.tile(x_emb[None, :, :], (H, 1, 1)),  # [h, w, d/2]
            jnp.tile(y_emb[:, None, :], (1, W, 1)),  # [h, w, d/2]
        ],
        axis=-1,
    )  # [h, w, d]
    pos = jnp.tile(pos[None, :, :, :], (x.shape[0], 1, 1, 1))  # [bs, h, w, d]
    return pos.reshape(x.shape[0], H * W, pos.shape[-1])

if __name__ == "__main__":
    import jax
    _d = setup_inputs()
    print(jax.jit(kernel)(*tuple(_d.values())))

</pallas_src>

<mosaic_0001>
#map = affine_map<(d0, d1) -> (0, 0)>
module attributes {stable_mosaic.version = 14 : i64} {
  func.func @_sc_lookup_body(%arg0: i32, %arg1: i32, %arg2: memref<300x128xf32, #tpu.memory_space<hbm>>, %arg3: memref<300x128xf32, #tpu.memory_space<hbm>>, %arg4: memref<1024x256xf32, #tpu.memory_space<hbm>>, %arg5: memref<32x128xf32, #tpu.memory_space<vmem>>, %arg6: memref<128xf32, #tpu.memory_space<vmem>>, %arg7: memref<32x256xf32, #tpu.memory_space<vmem>>, %arg8: memref<!tpu.dma_semaphore, #tpu.memory_space<semaphore_mem>>) attributes {dimension_semantics = [#tpu.dimension_semantics<core_parallel>, #tpu.dimension_semantics<subcore_parallel>], iteration_bounds = array<i64: 2, 16>, scalar_prefetch = 0 : i64, scratch_operands = 4 : i64, tpu.core_type = #tpu.core_type<sc_vector_subcore>, window_params = [{transform_indices = #map}, {transform_indices = #map}, {transform_indices = #map}]} {
    %mul3A = arith.constant 2 : i32
    %mul3A_0 = arith.muli %arg1, %mul3A : i32
    %add3A = arith.addi %mul3A_0, %arg0 : i32
    "tpu.region"() ({
      %run_scoped3A = tpu.sem_alloc : memref<!tpu.dma_semaphore, #tpu.memory_space<semaphore_mem>>
      %dma_start3A = arith.constant 0 : i32
      %dma_start3A_9 = arith.constant 0 : i32
      %dma_start3A_10 = tpu.memref_slice %arg2[%dma_start3A, %dma_start3A_9] : memref<300x128xf32, #tpu.memory_space<hbm>> -> memref<32x128xf32, #tpu.memory_space<hbm>>
      %dma_start3A_11 = arith.constant 0 : i32
      %dma_start3A_12 = arith.constant 0 : i32
      %dma_start3A_13 = tpu.memref_slice %arg2[%dma_start3A_11, %dma_start3A_12] : memref<300x128xf32, #tpu.memory_space<hbm>> -> memref<32x128xf32, #tpu.memory_space<hbm>>
      tpu.enqueue_dma source(%dma_start3A_13 : memref<32x128xf32, #tpu.memory_space<hbm>>) target(%arg5 : memref<32x128xf32, #tpu.memory_space<vmem>>) target_semaphore(%run_scoped3A : memref<!tpu.dma_semaphore, #tpu.memory_space<semaphore_mem>>)
      %dma_wait3A = arith.constant 0 : i32
      %dma_wait3A_14 = arith.constant 0 : i32
      %dma_wait3A_15 = tpu.memref_slice %arg2[%dma_wait3A, %dma_wait3A_14] : memref<300x128xf32, #tpu.memory_space<hbm>> -> memref<32x128xf32, #tpu.memory_space<hbm>>
      %dma_wait3A_16 = arith.constant 0 : i32
      %dma_wait3A_17 = arith.constant 0 : i32
      %dma_wait3A_18 = tpu.memref_slice %arg2[%dma_wait3A_16, %dma_wait3A_17] : memref<300x128xf32, #tpu.memory_space<hbm>> -> memref<32x128xf32, #tpu.memory_space<hbm>>
      tpu.wait_dma2 semaphore(%run_scoped3A : memref<!tpu.dma_semaphore, #tpu.memory_space<semaphore_mem>>) src(%dma_wait3A_18 : memref<32x128xf32, #tpu.memory_space<hbm>>) dst(%arg5 : memref<32x128xf32, #tpu.memory_space<vmem>>)
      tpu.yield
    }) : () -> ()
    "tpu.region"() ({
      %run_scoped3A = tpu.sem_alloc : memref<!tpu.dma_semaphore, #tpu.memory_space<semaphore_mem>>
      %dma_start3A = arith.constant 0 : i32
      %dma_start3A_9 = tpu.memref_slice %arg3[%add3A, %dma_start3A] : memref<300x128xf32, #tpu.memory_space<hbm>> -> memref<1x128xf32, #tpu.memory_space<hbm>>
      %dma_start3A_10 = tpu.memref_squeeze %dma_start3A_9 : memref<1x128xf32, #tpu.memory_space<hbm>> -> memref<128xf32, #tpu.memory_space<hbm>>
      %dma_start3A_11 = arith.constant 0 : i32
      %dma_start3A_12 = tpu.memref_slice %arg3[%add3A, %dma_start3A_11] : memref<300x128xf32, #tpu.memory_space<hbm>> -> memref<1x128xf32, #tpu.memory_space<hbm>>
      %dma_start3A_13 = tpu.memref_squeeze %dma_start3A_12 : memref<1x128xf32, #tpu.memory_space<hbm>> -> memref<128xf32, #tpu.memory_space<hbm>>
      tpu.enqueue_dma source(%dma_start3A_13 : memref<128xf32, #tpu.memory_space<hbm>>) target(%arg6 : memref<128xf32, #tpu.memory_space<vmem>>) target_semaphore(%run_scoped3A : memref<!tpu.dma_semaphore, #tpu.memory_space<semaphore_mem>>)
      %dma_wait3A = arith.constant 0 : i32
      %dma_wait3A_14 = tpu.memref_slice %arg3[%add3A, %dma_wait3A] : memref<300x128xf32, #tpu.memory_space<hbm>> -> memref<1x128xf32, #tpu.memory_space<hbm>>
      %dma_wait3A_15 = tpu.memref_squeeze %dma_wait3A_14 : memref<1x128xf32, #tpu.memory_space<hbm>> -> memref<128xf32, #tpu.memory_space<hbm>>
      %dma_wait3A_16 = arith.constant 0 : i32
      %dma_wait3A_17 = tpu.memref_slice %arg3[%add3A, %dma_wait3A_16] : memref<300x128xf32, #tpu.memory_space<hbm>> -> memref<1x128xf32, #tpu.memory_space<hbm>>
      %dma_wait3A_18 = tpu.memref_squeeze %dma_wait3A_17 : memref<1x128xf32, #tpu.memory_space<hbm>> -> memref<128xf32, #tpu.memory_space<hbm>>
      tpu.wait_dma2 semaphore(%run_scoped3A : memref<!tpu.dma_semaphore, #tpu.memory_space<semaphore_mem>>) src(%dma_wait3A_18 : memref<128xf32, #tpu.memory_space<hbm>>) dst(%arg6 : memref<128xf32, #tpu.memory_space<vmem>>)
      tpu.yield
    }) : () -> ()
    %scan3A = arith.constant 0 : i32
    %scan3A_1 = arith.constant 0 : i32
    %scan3A_2 = arith.constant 32 : i32
    %scan3A_3 = arith.addi %scan3A_1, %scan3A_2 : i32
    %scan3A_4 = arith.constant 1 : i32
    %scan3A_5 = scf.for %scan3A_9 = %scan3A_1 to %scan3A_3 step %scan3A_4 iter_args(%scan3A_10 = %scan3A) -> (i32)  : i32 {
      %get3A = arith.index_cast %scan3A_9 : i32 to index
      %get3A_11 = arith.constant 0 : index
      %get3A_12 = tpu.vector_load %arg5[%get3A, %get3A_11] {strides = array<i32>} : memref<32x128xf32, #tpu.memory_space<vmem>>, vector<1x16xf32>,
      %get3A_13 = vector.shape_cast %get3A_12 : vector<1x16xf32> to vector<16xf32>
      %swap3A = arith.index_cast %scan3A_9 : i32 to index
      %swap3A_14 = arith.constant 0 : index
      %swap3A_15 = tpu.vector_load %arg7[%swap3A, %swap3A_14] {strides = array<i32>} : memref<32x256xf32, #tpu.memory_space<vmem>>, vector<1x16xf32>,
      %swap3A_16 = vector.shape_cast %swap3A_15 : vector<1x16xf32> to vector<16xf32>
      %swap3A_17 = vector.shape_cast %get3A_13 : vector<16xf32> to vector<1x16xf32>
      tpu.vector_store %arg7[%swap3A, %swap3A_14], %swap3A_17 {strides = array<i32>} : memref<32x256xf32, #tpu.memory_space<vmem>>, vector<1x16xf32>,
      %get3A_18 = arith.constant 0 : index
      %get3A_19 = tpu.vector_load %arg6[%get3A_18] {strides = array<i32>} : memref<128xf32, #tpu.memory_space<vmem>>, vector<16xf32>,
      %get3A_20 = vector.shape_cast %get3A_19 : vector<16xf32> to vector<16xf32>
      %swap3A_21 = arith.index_cast %scan3A_9 : i32 to index
      %swap3A_22 = arith.constant 128 : index
      %swap3A_23 = tpu.vector_load %arg7[%swap3A_21, %swap3A_22] {strides = array<i32>} : memref<32x256xf32, #tpu.memory_space<vmem>>, vector<1x16xf32>,
      %swap3A_24 = vector.shape_cast %swap3A_23 : vector<1x16xf32> to vector<16xf32>
      %swap3A_25 = vector.shape_cast %get3A_20 : vector<16xf32> to vector<1x16xf32>
      tpu.vector_store %arg7[%swap3A_21, %swap3A_22], %swap3A_25 {strides = array<i32>} : memref<32x256xf32, #tpu.memory_space<vmem>>, vector<1x16xf32>,
      %get3A_26 = arith.index_cast %scan3A_9 : i32 to index
      %get3A_27 = arith.constant 16 : index
      %get3A_28 = tpu.vector_load %arg5[%get3A_26, %get3A_27] {strides = array<i32>} : memref<32x128xf32, #tpu.memory_space<vmem>>, vector<1x16xf32>,
      %get3A_29 = vector.shape_cast %get3A_28 : vector<1x16xf32> to vector<16xf32>
      %swap3A_30 = arith.index_cast %scan3A_9 : i32 to index
      %swap3A_31 = arith.constant 16 : index
      %swap3A_32 = tpu.vector_load %arg7[%swap3A_30, %swap3A_31] {strides = array<i32>} : memref<32x256xf32, #tpu.memory_space<vmem>>, vector<1x16xf32>,
      %swap3A_33 = vector.shape_cast %swap3A_32 : vector<1x16xf32> to vector<16xf32>
      %swap3A_34 = vector.shape_cast %get3A_29 : vector<16xf32> to vector<1x16xf32>
      tpu.vector_store %arg7[%swap3A_30, %swap3A_31], %swap3A_34 {strides = array<i32>} : memref<32x256xf32, #tpu.memory_space<vmem>>, vector<1x16xf32>,
      %get3A_35 = arith.constant 16 : index
      %get3A_36 = tpu.vector_load %arg6[%get3A_35] {strides = array<i32>} : memref<128xf32, #tpu.memory_space<vmem>>, vector<16xf32>,
      %get3A_37 = vector.shape_cast %get3A_36 : vector<16xf32> to vector<16xf32>
      %swap3A_38 = arith.index_cast %scan3A_9 : i32 to index
      %swap3A_39 = arith.constant 144 : index
      %swap3A_40 = tpu.vector_load %arg7[%swap3A_38, %swap3A_39] {strides = array<i32>} : memref<32x256xf32, #tpu.memory_space<vmem>>, vector<1x16xf32>,
      %swap3A_41 = vector.shape_cast %swap3A_40 : vector<1x16xf32> to vector<16xf32>
      %swap3A_42 = vector.shape_cast %get3A_37 : vector<16xf32> to vector<1x16xf32>
      tpu.vector_store %arg7[%swap3A_38, %swap3A_39], %swap3A_42 {strides = array<i32>} : memref<32x256xf32, #tpu.memory_space<vmem>>, vector<1x16xf32>,
      %get3A_43 = arith.index_cast %scan3A_9 : i32 to index
      %get3A_44 = arith.constant 32 : index
      %get3A_45 = tpu.vector_load %arg5[%get3A_43, %get3A_44] {strides = array<i32>} : memref<32x128xf32, #tpu.memory_space<vmem>>, vector<1x16xf32>,
      %get3A_46 = vector.shape_cast %get3A_45 : vector<1x16xf32> to vector<16xf32>
      %swap3A_47 = arith.index_cast %scan3A_9 : i32 to index
      %swap3A_48 = arith.constant 32 : index
      %swap3A_49 = tpu.vector_load %arg7[%swap3A_47, %swap3A_48] {strides = array<i32>} : memref<32x256xf32, #tpu.memory_space<vmem>>, vector<1x16xf32>,
      %swap3A_50 = vector.shape_cast %swap3A_49 : vector<1x16xf32> to vector<16xf32>
      %swap3A_51 = vector.shape_cast %get3A_46 : vector<16xf32> to vector<1x16xf32>
      tpu.vector_store %arg7[%swap3A_47, %swap3A_48], %swap3A_51 {strides = array<i32>} : memref<32x256xf32, #tpu.memory_space<vmem>>, vector<1x16xf32>,
      %get3A_52 = arith.constant 32 : index
      %get3A_53 = tpu.vector_load %arg6[%get3A_52] {strides = array<i32>} : memref<128xf32, #tpu.memory_space<vmem>>, vector<16xf32>,
      %get3A_54 = vector.shape_cast %get3A_53 : vector<16xf32> to vector<16xf32>
      %swap3A_55 = arith.index_cast %scan3A_9 : i32 to index
      %swap3A_56 = arith.constant 160 : index
      %swap3A_57 = tpu.vector_load %arg7[%swap3A_55, %swap3A_56] {strides = array<i32>} : memref<32x256xf32, #tpu.memory_space<vmem>>, vector<1x16xf32>,
      %swap3A_58 = vector.shape_cast %swap3A_57 : vector<1x16xf32> to vector<16xf32>
      %swap3A_59 = vector.shape_cast %get3A_54 : vector<16xf32> to vector<1x16xf32>
      tpu.vector_store %arg7[%swap3A_55, %swap3A_56], %swap3A_59 {strides = array<i32>} : memref<32x256xf32, #tpu.memory_space<vmem>>, vector<1x16xf32>,
      %get3A_60 = arith.index_cast %scan3A_9 : i32 to index
      %get3A_61 = arith.constant 48 : index
      %get3A_62 = tpu.vector_load %arg5[%get3A_60, %get3A_61] {strides = array<i32>} : memref<32x128xf32, #tpu.memory_space<vmem>>, vector<1x16xf32>,
      %get3A_63 = vector.shape_cast %get3A_62 : vector<1x16xf32> to vector<16xf32>
      %swap3A_64 = arith.index_cast %scan3A_9 : i32 to index
      %swap3A_65 = arith.constant 48 : index
      %swap3A_66 = tpu.vector_load %arg7[%swap3A_64, %swap3A_65] {strides = array<i32>} : memref<32x256xf32, #tpu.memory_space<vmem>>, vector<1x16xf32>,
      %swap3A_67 = vector.shape_cast %swap3A_66 : vector<1x16xf32> to vector<16xf32>
      %swap3A_68 = vector.shape_cast %get3A_63 : vector<16xf32> to vector<1x16xf32>
      tpu.vector_store %arg7[%swap3A_64, %swap3A_65], %swap3A_68 {strides = array<i32>} : memref<32x256xf32, #tpu.memory_space<vmem>>, vector<1x16xf32>,
      %get3A_69 = arith.constant 48 : index
      %get3A_70 = tpu.vector_load %arg6[%get3A_69] {strides = array<i32>} : memref<128xf32, #tpu.memory_space<vmem>>, vector<16xf32>,
      %get3A_71 = vector.shape_cast %get3A_70 : vector<16xf32> to vector<16xf32>
      %swap3A_72 = arith.index_cast %scan3A_9 : i32 to index
      %swap3A_73 = arith.constant 176 : index
      %swap3A_74 = tpu.vector_load %arg7[%swap3A_72, %swap3A_73] {strides = array<i32>} : memref<32x256xf32, #tpu.memory_space<vmem>>, vector<1x16xf32>,
      %swap3A_75 = vector.shape_cast %swap3A_74 : vector<1x16xf32> to vector<16xf32>
      %swap3A_76 = vector.shape_cast %get3A_71 : vector<16xf32> to vector<1x16xf32>
      tpu.vector_store %arg7[%swap3A_72, %swap3A_73], %swap3A_76 {strides = array<i32>} : memref<32x256xf32, #tpu.memory_space<vmem>>, vector<1x16xf32>,
      %get3A_77 = arith.index_cast %scan3A_9 : i32 to index
      %get3A_78 = arith.constant 64 : index
      %get3A_79 = tpu.vector_load %arg5[%get3A_77, %get3A_78] {strides = array<i32>} : memref<32x128xf32, #tpu.memory_space<vmem>>, vector<1x16xf32>,
      %get3A_80 = vector.shape_cast %get3A_79 : vector<1x16xf32> to vector<16xf32>
      %swap3A_81 = arith.index_cast %scan3A_9 : i32 to index
      %swap3A_82 = arith.constant 64 : index
      %swap3A_83 = tpu.vector_load %arg7[%swap3A_81, %swap3A_82] {strides = array<i32>} : memref<32x256xf32, #tpu.memory_space<vmem>>, vector<1x16xf32>,
      %swap3A_84 = vector.shape_cast %swap3A_83 : vector<1x16xf32> to vector<16xf32>
      %swap3A_85 = vector.shape_cast %get3A_80 : vector<16xf32> to vector<1x16xf32>
      tpu.vector_store %arg7[%swap3A_81, %swap3A_82], %swap3A_85 {strides = array<i32>} : memref<32x256xf32, #tpu.memory_space<vmem>>, vector<1x16xf32>,
      %get3A_86 = arith.constant 64 : index
      %get3A_87 = tpu.vector_load %arg6[%get3A_86] {strides = array<i32>} : memref<128xf32, #tpu.memory_space<vmem>>, vector<16xf32>,
      %get3A_88 = vector.shape_cast %get3A_87 : vector<16xf32> to vector<16xf32>
      %swap3A_89 = arith.index_cast %scan3A_9 : i32 to index
      %swap3A_90 = arith.constant 192 : index
      %swap3A_91 = tpu.vector_load %arg7[%swap3A_89, %swap3A_90] {strides = array<i32>} : memref<32x256xf32, #tpu.memory_space<vmem>>, vector<1x16xf32>,
      %swap3A_92 = vector.shape_cast %swap3A_91 : vector<1x16xf32> to vector<16xf32>
      %swap3A_93 = vector.shape_cast %get3A_88 : vector<16xf32> to vector<1x16xf32>
      tpu.vector_store %arg7[%swap3A_89, %swap3A_90], %swap3A_93 {strides = array<i32>} : memref<32x256xf32, #tpu.memory_space<vmem>>, vector<1x16xf32>,
      %get3A_94 = arith.index_cast %scan3A_9 : i32 to index
      %get3A_95 = arith.constant 80 : index
      %get3A_96 = tpu.vector_load %arg5[%get3A_94, %get3A_95] {strides = array<i32>} : memref<32x128xf32, #tpu.memory_space<vmem>>, vector<1x16xf32>,
      %get3A_97 = vector.shape_cast %get3A_96 : vector<1x16xf32> to vector<16xf32>
      %swap3A_98 = arith.index_cast %scan3A_9 : i32 to index
      %swap3A_99 = arith.constant 80 : index
      %swap3A_100 = tpu.vector_load %arg7[%swap3A_98, %swap3A_99] {strides = array<i32>} : memref<32x256xf32, #tpu.memory_space<vmem>>, vector<1x16xf32>,
      %swap3A_101 = vector.shape_cast %swap3A_100 : vector<1x16xf32> to vector<16xf32>
      %swap3A_102 = vector.shape_cast %get3A_97 : vector<16xf32> to vector<1x16xf32>
      tpu.vector_store %arg7[%swap3A_98, %swap3A_99], %swap3A_102 {strides = array<i32>} : memref<32x256xf32, #tpu.memory_space<vmem>>, vector<1x16xf32>,
      %get3A_103 = arith.constant 80 : index
      %get3A_104 = tpu.vector_load %arg6[%get3A_103] {strides = array<i32>} : memref<128xf32, #tpu.memory_space<vmem>>, vector<16xf32>,
      %get3A_105 = vector.shape_cast %get3A_104 : vector<16xf32> to vector<16xf32>
      %swap3A_106 = arith.index_cast %scan3A_9 : i32 to index
      %swap3A_107 = arith.constant 208 : index
      %swap3A_108 = tpu.vector_load %arg7[%swap3A_106, %swap3A_107] {strides = array<i32>} : memref<32x256xf32, #tpu.memory_space<vmem>>, vector<1x16xf32>,
      %swap3A_109 = vector.shape_cast %swap3A_108 : vector<1x16xf32> to vector<16xf32>
      %swap3A_110 = vector.shape_cast %get3A_105 : vector<16xf32> to vector<1x16xf32>
      tpu.vector_store %arg7[%swap3A_106, %swap3A_107], %swap3A_110 {strides = array<i32>} : memref<32x256xf32, #tpu.memory_space<vmem>>, vector<1x16xf32>,
      %get3A_111 = arith.index_cast %scan3A_9 : i32 to index
      %get3A_112 = arith.constant 96 : index
      %get3A_113 = tpu.vector_load %arg5[%get3A_111, %get3A_112] {strides = array<i32>} : memref<32x128xf32, #tpu.memory_space<vmem>>, vector<1x16xf32>,
      %get3A_114 = vector.shape_cast %get3A_113 : vector<1x16xf32> to vector<16xf32>
      %swap3A_115 = arith.index_cast %scan3A_9 : i32 to index
      %swap3A_116 = arith.constant 96 : index
      %swap3A_117 = tpu.vector_load %arg7[%swap3A_115, %swap3A_116] {strides = array<i32>} : memref<32x256xf32, #tpu.memory_space<vmem>>, vector<1x16xf32>,
      %swap3A_118 = vector.shape_cast %swap3A_117 : vector<1x16xf32> to vector<16xf32>
      %swap3A_119 = vector.shape_cast %get3A_114 : vector<16xf32> to vector<1x16xf32>
      tpu.vector_store %arg7[%swap3A_115, %swap3A_116], %swap3A_119 {strides = array<i32>} : memref<32x256xf32, #tpu.memory_space<vmem>>, vector<1x16xf32>,
      %get3A_120 = arith.constant 96 : index
      %get3A_121 = tpu.vector_load %arg6[%get3A_120] {strides = array<i32>} : memref<128xf32, #tpu.memory_space<vmem>>, vector<16xf32>,
      %get3A_122 = vector.shape_cast %get3A_121 : vector<16xf32> to vector<16xf32>
      %swap3A_123 = arith.index_cast %scan3A_9 : i32 to index
      %swap3A_124 = arith.constant 224 : index
      %swap3A_125 = tpu.vector_load %arg7[%swap3A_123, %swap3A_124] {strides = array<i32>} : memref<32x256xf32, #tpu.memory_space<vmem>>, vector<1x16xf32>,
      %swap3A_126 = vector.shape_cast %swap3A_125 : vector<1x16xf32> to vector<16xf32>
      %swap3A_127 = vector.shape_cast %get3A_122 : vector<16xf32> to vector<1x16xf32>
      tpu.vector_store %arg7[%swap3A_123, %swap3A_124], %swap3A_127 {strides = array<i32>} : memref<32x256xf32, #tpu.memory_space<vmem>>, vector<1x16xf32>,
      %get3A_128 = arith.index_cast %scan3A_9 : i32 to index
      %get3A_129 = arith.constant 112 : index
      %get3A_130 = tpu.vector_load %arg5[%get3A_128, %get3A_129] {strides = array<i32>} : memref<32x128xf32, #tpu.memory_space<vmem>>, vector<1x16xf32>,
      %get3A_131 = vector.shape_cast %get3A_130 : vector<1x16xf32> to vector<16xf32>
      %swap3A_132 = arith.index_cast %scan3A_9 : i32 to index
      %swap3A_133 = arith.constant 112 : index
      %swap3A_134 = tpu.vector_load %arg7[%swap3A_132, %swap3A_133] {strides = array<i32>} : memref<32x256xf32, #tpu.memory_space<vmem>>, vector<1x16xf32>,
      %swap3A_135 = vector.shape_cast %swap3A_134 : vector<1x16xf32> to vector<16xf32>
      %swap3A_136 = vector.shape_cast %get3A_131 : vector<16xf32> to vector<1x16xf32>
      tpu.vector_store %arg7[%swap3A_132, %swap3A_133], %swap3A_136 {strides = array<i32>} : memref<32x256xf32, #tpu.memory_space<vmem>>, vector<1x16xf32>,
      %get3A_137 = arith.constant 112 : index
      %get3A_138 = tpu.vector_load %arg6[%get3A_137] {strides = array<i32>} : memref<128xf32, #tpu.memory_space<vmem>>, vector<16xf32>,
      %get3A_139 = vector.shape_cast %get3A_138 : vector<16xf32> to vector<16xf32>
      %swap3A_140 = arith.index_cast %scan3A_9 : i32 to index
      %swap3A_141 = arith.constant 240 : index
      %swap3A_142 = tpu.vector_load %arg7[%swap3A_140, %swap3A_141] {strides = array<i32>} : memref<32x256xf32, #tpu.memory_space<vmem>>, vector<1x16xf32>,
      %swap3A_143 = vector.shape_cast %swap3A_142 : vector<1x16xf32> to vector<16xf32>
      %swap3A_144 = vector.shape_cast %get3A_139 : vector<16xf32> to vector<1x16xf32>
      tpu.vector_store %arg7[%swap3A_140, %swap3A_141], %swap3A_144 {strides = array<i32>} : memref<32x256xf32, #tpu.memory_space<vmem>>, vector<1x16xf32>,
      %scan3A_145 = arith.constant 0 : i32
      scf.yield %scan3A_145 : i32
    }
    %scan3A_6 = arith.constant 32 : i32
    %mul3A_7 = arith.constant 32 : i32
    %mul3A_8 = arith.muli %add3A, %mul3A_7 : i32
    "tpu.region"() ({
      %run_scoped3A = tpu.sem_alloc : memref<!tpu.dma_semaphore, #tpu.memory_space<semaphore_mem>>
      %dma_start3A = arith.constant 0 : i32
      %dma_start3A_9 = tpu.memref_slice %arg4[%mul3A_8, %dma_start3A] : memref<1024x256xf32, #tpu.memory_space<hbm>> -> memref<32x256xf32, #tpu.memory_space<hbm>>
      %dma_start3A_10 = arith.constant 0 : i32
      %dma_start3A_11 = tpu.memref_slice %arg4[%mul3A_8, %dma_start3A_10] : memref<1024x256xf32, #tpu.memory_space<hbm>> -> memref<32x256xf32, #tpu.memory_space<hbm>>
      tpu.enqueue_dma source(%arg7 : memref<32x256xf32, #tpu.memory_space<vmem>>) target(%dma_start3A_11 : memref<32x256xf32, #tpu.memory_space<hbm>>) target_semaphore(%run_scoped3A : memref<!tpu.dma_semaphore, #tpu.memory_space<semaphore_mem>>)
      %dma_wait3A = arith.constant 0 : i32
      %dma_wait3A_12 = tpu.memref_slice %arg4[%mul3A_8, %dma_wait3A] : memref<1024x256xf32, #tpu.memory_space<hbm>> -> memref<32x256xf32, #tpu.memory_space<hbm>>
      %dma_wait3A_13 = arith.constant 0 : i32
      %dma_wait3A_14 = tpu.memref_slice %arg4[%mul3A_8, %dma_wait3A_13] : memref<1024x256xf32, #tpu.memory_space<hbm>> -> memref<32x256xf32, #tpu.memory_space<hbm>>
      tpu.wait_dma2 semaphore(%run_scoped3A : memref<!tpu.dma_semaphore, #tpu.memory_space<semaphore_mem>>) src(%arg7 : memref<32x256xf32, #tpu.memory_space<vmem>>) dst(%dma_wait3A_14 : memref<32x256xf32, #tpu.memory_space<hbm>>)
      tpu.yield
    }) : () -> ()
    return
  }
}

module attributes {stable_mosaic.version = 14 : i64} {
  func.func @_tc_fill_body(%arg0: i32, %arg1: memref<1x8x128xf32, #tpu.memory_space<vmem>>, %arg2: memref<1024x256xf32, #tpu.memory_space<vmem>>, %arg3: memref<4x1024x256xf32, #tpu.memory_space<vmem>>) attributes {dimension_semantics = [#tpu.dimension_semantics<arbitrary>], iteration_bounds = array<i64: 3>, scalar_prefetch = 0 : i64, scratch_operands = 0 : i64, tpu.core_type = #tpu.core_type<tc>, window_params = [{transform_indices = @transform_0, window_bounds = array<i64: 1, 8, 128>}, {pipeline_mode = #tpu.pipeline_mode<synchronous>, transform_indices = @transform_1, window_bounds = array<i64: 1024, 256>}, {transform_indices = @transform_2, window_bounds = array<i64: 4, 1024, 256>}]} {
    %get3A = arith.constant 0 : index
    %get3A_0 = arith.constant 0 : index
    %get3A_1 = vector.load %arg2[%get3A, %get3A_0] : memref<1024x256xf32, #tpu.memory_space<vmem>>, vector<1024x256xf32>
    %broadcast_in_dim3A = vector.shape_cast %get3A_1 : vector<1024x256xf32> to vector<1x1024x256xf32>
    %broadcast_in_dim3A_2 = vector.shape_cast %broadcast_in_dim3A : vector<1x1024x256xf32> to vector<1x1024x256xf32>
    %broadcast_in_dim3A_3 = vector.broadcast %broadcast_in_dim3A_2 : vector<1x1024x256xf32> to vector<4x1024x256xf32>
    %swap3A = arith.constant 0 : index
    %swap3A_4 = arith.constant 0 : index
    %swap3A_5 = arith.constant 0 : index
    %swap3A_6 = vector.load %arg3[%swap3A, %swap3A_4, %swap3A_5] : memref<4x1024x256xf32, #tpu.memory_space<vmem>>, vector<4x1024x256xf32>
    tpu.vector_store %arg3[%swap3A, %swap3A_4, %swap3A_5], %broadcast_in_dim3A_3 {strides = array<i32>} : memref<4x1024x256xf32, #tpu.memory_space<vmem>>, vector<4x1024x256xf32>,
    return
  }
  func.func @transform_0(%arg0: i32) -> (i32, i32, i32) {
    %c0_i32 = arith.constant 0 : i32
    %c0_i32_0 = arith.constant 0 : i32
    %c0_i32_1 = arith.constant 0 : i32
    %c0_i32_2 = arith.constant 0 : i32
    return %c0_i32, %c0_i32_0, %c0_i32_1 : i32, i32, i32
  }
  func.func @transform_1(%arg0: i32) -> (i32, i32) {
    %c0_i32 = arith.constant 0 : i32
    %c0_i32_0 = arith.constant 0 : i32
    %c0_i32_1 = arith.constant 0 : i32
    return %c0_i32, %c0_i32_0 : i32, i32
  }
  func.func @transform_2(%arg0: i32) -> (i32, i32, i32) {
    %add3A = arith.constant 5 : i32
    %add3A_0 = arith.addi %arg0, %add3A : i32
    %c0_i32 = arith.constant 0 : i32
    %c0_i32_1 = arith.constant 0 : i32
    %c0_i32_2 = arith.constant 0 : i32
    return %add3A_0, %c0_i32, %c0_i32_1 : i32, i32, i32
  }
}

module attributes {stable_mosaic.version = 14 : i64} {
  func.func @_tc_build_body(%arg0: i32, %arg1: memref<32x128xf32, #tpu.memory_space<vmem>>, %arg2: memref<32x128xf32, #tpu.memory_space<vmem>>, %arg3: memref<4x1024x256xf32, #tpu.memory_space<vmem>>) attributes {dimension_semantics = [#tpu.dimension_semantics<arbitrary>], iteration_bounds = array<i64: 5>, scalar_prefetch = 0 : i64, scratch_operands = 0 : i64, tpu.core_type = #tpu.core_type<tc>, window_params = [{transform_indices = @transform_0, window_bounds = array<i64: 32, 128>}, {transform_indices = @transform_1, window_bounds = array<i64: 32, 128>}, {transform_indices = @transform_2, window_bounds = array<i64: 4, 1024, 256>}]} {
    %get3A = arith.constant 0 : index
    %get3A_0 = arith.constant 0 : index
    %get3A_1 = vector.load %arg1[%get3A, %get3A_0] : memref<32x128xf32, #tpu.memory_space<vmem>>, vector<32x128xf32>
    %get3A_2 = arith.constant 0 : index
    %get3A_3 = arith.constant 0 : index
    %get3A_4 = vector.load %arg2[%get3A_2, %get3A_3] : memref<32x128xf32, #tpu.memory_space<vmem>>, vector<32x128xf32>
    %broadcast_in_dim3A = vector.shape_cast %get3A_1 : vector<32x128xf32> to vector<1x32x128xf32>
    %broadcast_in_dim3A_5 = vector.shape_cast %broadcast_in_dim3A : vector<1x32x128xf32> to vector<1x32x128xf32>
    %broadcast_in_dim3A_6 = vector.broadcast %broadcast_in_dim3A_5 : vector<1x32x128xf32> to vector<32x32x128xf32>
    %reshape3A = vector.shape_cast %broadcast_in_dim3A_6 : vector<32x32x128xf32> to vector<1024x128xf32>
    %broadcast_in_dim3A_7 = vector.shape_cast %get3A_4 : vector<32x128xf32> to vector<32x1x128xf32>
    %broadcast_in_dim3A_8 = vector.shape_cast %broadcast_in_dim3A_7 : vector<32x1x128xf32> to vector<32x1x128xf32>
    %broadcast_in_dim3A_9 = vector.broadcast %broadcast_in_dim3A_8 : vector<32x1x128xf32> to vector<32x32x128xf32>
    %reshape3A_10 = vector.shape_cast %broadcast_in_dim3A_9 : vector<32x32x128xf32> to vector<1024x128xf32>
    %concatenate3A = tpu.concatenate %reshape3A, %reshape3A_10 in 1 : vector<1024x128xf32>, vector<1024x128xf32> -> vector<1024x256xf32>
    %broadcast_in_dim3A_11 = vector.shape_cast %concatenate3A : vector<1024x256xf32> to vector<1x1024x256xf32>
    %broadcast_in_dim3A_12 = vector.shape_cast %broadcast_in_dim3A_11 : vector<1x1024x256xf32> to vector<1x1024x256xf32>
    %broadcast_in_dim3A_13 = vector.broadcast %broadcast_in_dim3A_12 : vector<1x1024x256xf32> to vector<4x1024x256xf32>
    %swap3A = arith.constant 0 : index
    %swap3A_14 = arith.constant 0 : index
    %swap3A_15 = arith.constant 0 : index
    %swap3A_16 = vector.load %arg3[%swap3A, %swap3A_14, %swap3A_15] : memref<4x1024x256xf32, #tpu.memory_space<vmem>>, vector<4x1024x256xf32>
    tpu.vector_store %arg3[%swap3A, %swap3A_14, %swap3A_15], %broadcast_in_dim3A_13 {strides = array<i32>} : memref<4x1024x256xf32, #tpu.memory_space<vmem>>, vector<4x1024x256xf32>,
    return
  }
  func.func @transform_0(%arg0: i32) -> (i32, i32) {
    %c0_i32 = arith.constant 0 : i32
    %c0_i32_0 = arith.constant 0 : i32
    %c0_i32_1 = arith.constant 0 : i32
    return %c0_i32, %c0_i32_0 : i32, i32
  }
  func.func @transform_1(%arg0: i32) -> (i32, i32) {
    %c0_i32 = arith.constant 0 : i32
    %c0_i32_0 = arith.constant 0 : i32
    %c0_i32_1 = arith.constant 0 : i32
    return %c0_i32, %c0_i32_0 : i32, i32
  }
  func.func @transform_2(%arg0: i32) -> (i32, i32, i32) {
    %c0_i32 = arith.constant 0 : i32
    %c0_i32_0 = arith.constant 0 : i32
    %c0_i32_1 = arith.constant 0 : i32
    return %arg0, %c0_i32, %c0_i32_0 : i32, i32, i32
  }
}

</mosaic_0001>

<sc_bundles>
// kernel: kernel.5.cloned.1.call-start
scs
__scs_entry_jumppad:
0x0: {  	(pc) =	sbr.rel $0x88, $3  }
0x1: {  	(tag) =	ssettag $0x0;
	lr =	simm.s32 $0x1  }
0x2: {  	[smem:$0x3F9F] =	sst lr;
	_ =	strace $0xD0000000  }
0x3: {  	_ = 	snop  }
0x4: {  	_ = 	snop  }
0x5: {  	_ = 	snop  }
0x6: {  	_ = 	snop  }
0x7: {  	_ = 	snop  }
__scs_overlays_trampoline_lowered:
0x8: {  	[smem:$0x3FAE] =	sst s0  }
0x9: {  	[smem:$0x3FAF] =	sst s1  }
0xa: {  	[smem:$0x3FB0] =	sst s2  }
0xb: {  	[smem:$0x3FB1] =	sst s3  }
0xc: {  	[smem:$0x3FB2] =	sst s4  }
0xd: {  	[smem:$0x3FB3] =	sst s5  }
0xe: {  	[smem:$0x3FB4] =	sst s6  }
0xf: {  	[smem:$0x3FB5] =	sst s7  }
0x10: {  	[smem:$0x3FB6] =	sst s8  }
0x11: {  	[smem:$0x3FB7] =	sst s9;
	s0 =	simm.s32 @!p0 $0x0  }
0x12: {  	s1 =	sld [smem:$0x3F9D];
	s0 =	simm.s32 @p0 $0x1  }
0x13: {  	[smem:$0x3FB8] =	sst s0;
	s0 =	simm.s32 @!p1 $0x0  }
0x14: {  	s2 =	sld [smem:$0x3F9C];
	s0 =	simm.s32 @p1 $0x1  }
0x15: {  	[smem:$0x3FB9] =	sst s0;
	s0 =	simm.s32 @!p2 $0x0  }
0x16: {  	s3 =	sld [smem:$0x3FDB];
	s0 =	simm.s32 @p2 $0x1  }
0x17: {  	s4 =	simm.s32 $0x1BF5;
	[smem:$0x3FBB] =	sst s0  }
0x18: {  	s0 =	sld [smem:$0x3F9E];
	_ =	swait.ge [sflag:s4], $0x0  }
0x19: {  	s7 =	sld [smem:$0x3F9F]  }
0x1a: {  	s8 =	sadd.s32 $0xFFFFE003, lr  }
0x1b: {  	s9 =	sadd.s32 $0xFFFFFEF7, lr;
	s5 =	simm.s32 $0xFFFFFFFF;
	p2 =	slt.u32 s8, $0xFFFFF086  }
0x1c: {  	p1 =	slt.u32 s9, $0xF7A;
	s5 =	simm.s32 @!p2 $0x0  }
0x1d: {  	s5 =	simm.s32 @p1 $0x1;
	p0 =	seq.s32 s7, s2  }
0x1e: {  	s7 =	smul.u32 @!p0 $0xF7A, s2;
	p2 =	seq.s32 @!p0 s5, $0x0  }
0x1f: {  	s9 =	smul.u32 $0xF7A, s1;
	s8 =	simm.s32 @!p0 $0x1BF5;
	p2 =	por !p2, p0  }
0x20: {  	[sflag:s8] =	ssyncset.s32 @!p0 $0xFFFFF086;
	s6 =	sadd.s32 @!p0 s3, s7;
	s7 =	simm.s32 @!p0 $0x108  }
0x21: {  	s3 =	sadd.s32 s3, s9;
	s6 =	sadd.s32 @!p0 $0x88, s6;
	s7 =	simm.s32 @p2 $0x1082  }
0x22: {  	[simem:s7], [sflag:s8] =	dma.local @!p0 [hbm:s6], $0xF7A  }
0x23: {  	s9 =	sor.u32 $0xD0000000, s2;
	s6 =	simm.s32 $0x108;
	_ =	swait.ge @!p0 [sflag:s8], $0x0  }
0x24: {  	s3 =	sadd.s32 $0x88, s3;
	s6 =	simm.s32 @!p1 $0x1082;
	[sflag:s4] =	ssyncset.s32 $0xFFFFF086  }
0x25: {  	[simem:s6], [sflag:s4] =	dma.local [hbm:s3], $0xF7A  }
0x26: {  	[smem:$0x3F9F] =	sst s1;
	(tag) =	ssettag s2;
	_ =	strace s9  }
0x27: {  	s1 =	sld [smem:$0x3FAF]  }
0x28: {  	s2 =	sld [smem:$0x3FB0]  }
0x29: {  	s4 =	sld [smem:$0x3FB2]  }
0x2a: {  	p0 =	seq.s32 s5, $0x0;
	s5 =	sld [smem:$0x3FB3]  }
0x2b: {  	s6 =	sld [smem:$0x3FB4]  }
0x2c: {  	s7 =	sld [smem:$0x3FB5]  }
0x2d: {  	s3 =	simm.s32 $0x108;
	s8 =	sld [smem:$0x3FB6]  }
0x2e: {  	s3 =	simm.s32 @!p0 $0x1082;
	s9 =	sld [smem:$0x3FB7]  }
0x2f: {  	lr =	sadd.s32 s0, s3;
	s0 =	sld [smem:$0x3FAE]  }
0x30: {  	s3 =	sld [smem:$0x3FB1]  }
0x31: {  	[smem:$0x3FBA] =	sst s10  }
0x32: {  	s10 =	sld [smem:$0x3FB8];
	_ =	sdelay $0x3  }
0x33: {  	p0 =	seq.s32 s10, $0x1;
	s10 =	sld [smem:$0x3FBA];
	_ =	sdelay $0x3  }
0x34: {  	[smem:$0x3FBA] =	sst s10  }
0x35: {  	s10 =	sld [smem:$0x3FB9];
	_ =	sdelay $0x3  }
0x36: {  	p1 =	seq.s32 s10, $0x1;
	s10 =	sld [smem:$0x3FBA];
	_ =	sdelay $0x3  }
0x37: {  	[smem:$0x3FBA] =	sst s10  }
0x38: {  	s10 =	sld [smem:$0x3FBB]  }
0x39: {  	_ = 	snop;
	(pc) =	sbr.ind lr, $3  }
0x3a: {  	_ = 	snop  }
0x3b: {  	_ = 	snop  }
0x3c: {  	p2 =	seq.s32 s10, $0x1;
	s10 =	sld [smem:$0x3FBA]  }
0x3d: {  	_ =	shalt  }
0x3e: {  	_ =	shalt  }
0x3f: {  	_ =	shalt  }
0x40: {  	_ =	shalt  }
0x41: {  	_ =	shalt  }
0x42: {  	_ =	shalt  }
0x43: {  	_ =	shalt  }
0x44: {  	_ =	shalt  }
0x45: {  	_ =	shalt  }
0x46: {  	_ =	shalt  }
0x47: {  	_ =	shalt  }
0x48: {  	_ =	shalt  }
0x49: {  	_ =	shalt  }
0x4a: {  	_ =	shalt  }
0x4b: {  	_ =	shalt  }
0x4c: {  	_ =	shalt  }
0x4d: {  	_ =	shalt  }
0x4e: {  	_ =	shalt  }
0x4f: {  	_ =	shalt  }
0x50: {  	_ =	shalt  }
0x51: {  	_ =	shalt  }
0x52: {  	_ =	shalt  }
0x53: {  	_ =	shalt  }
0x54: {  	_ =	shalt  }
0x55: {  	_ =	shalt  }
0x56: {  	_ =	shalt  }
0x57: {  	_ =	shalt  }
0x58: {  	_ =	shalt  }
0x59: {  	_ =	shalt  }
0x5a: {  	_ =	shalt  }
0x5b: {  	_ =	shalt  }
0x5c: {  	_ =	shalt  }
0x5d: {  	_ =	shalt  }
0x5e: {  	_ =	shalt  }
0x5f: {  	_ =	shalt  }
0x60: {  	_ =	shalt  }
0x61: {  	_ =	shalt  }
0x62: {  	_ =	shalt  }
0x63: {  	_ =	shalt  }
0x64: {  	_ =	shalt  }
0x65: {  	_ =	shalt  }
0x66: {  	_ =	shalt  }
0x67: {  	_ =	shalt  }
0x68: {  	_ =	shalt  }
0x69: {  	_ =	shalt  }
0x6a: {  	_ =	shalt  }
0x6b: {  	_ =	shalt  }
0x6c: {  	_ =	shalt  }
0x6d: {  	_ =	shalt  }
0x6e: {  	_ =	shalt  }
0x6f: {  	_ =	shalt  }
0x70: {  	_ =	shalt  }
0x71: {  	_ =	shalt  }
0x72: {  	_ =	shalt  }
0x73: {  	_ =	shalt  }
0x74: {  	_ =	shalt  }
0x75: {  	_ =	shalt  }
0x76: {  	_ =	shalt  }
0x77: {  	_ =	shalt  }
0x78: {  	_ =	shalt  }
0x79: {  	_ =	shalt  }
0x7a: {  	_ =	shalt  }
0x7b: {  	_ =	shalt  }
0x7c: {  	_ =	shalt  }
0x7d: {  	_ =	shalt  }
0x7e: {  	_ =	shalt  }
0x7f: {  	_ =	shalt  }
0x80: {  	_ =	shalt  }
0x81: {  	_ =	shalt  }
0x82: {  	_ =	shalt  }
0x83: {  	_ =	shalt  }
0x84: {  	_ =	shalt  }
0x85: {  	_ =	shalt  }
0x86: {  	_ =	shalt  }
0x87: {  	_ =	shalt  }
.Lfunc_end0:
.L_simem_size_0:
called_computation_lowered:
.L_overlay_start_0:
0x88: {  	s2 =	sld [smem:$0x3FD9]  }
0x89: {  	s3 =	sld [smem:$0x3FFE];
	_ =	sdelay $0x1  }
0x8a: {  	s1 =	srdreg.scid  }
0x8b: {  	s0 =	sand.u32 $0x1, s1  }
0x8c: {  	s17 =	sshll.u32 s0, $0xA;
	s2 =	sadd.s32 s3, s2  }
0x8d: {  	s2 =	sadd.s32 s2, s17  }
0x8e: {  	[smem:$0x3FC6] =	sst s2  }
0x8f: {  	_ = 	snop  }
0x90: {  	s2 =	sld [smem:$0x3FC9]  }
0x91: {  	s18 =	sld [smem:$0x3FC8];
	(tm) =	ssettm $0x1  }
0x92: {  	s4 =	sld [smem:$0x3FFB];
	_ =	sdelay $0x3  }
0x93: {  	_ =	strace s4  }
0x94: {  	s4 =	sld [smem:$0x3FFC];
	_ =	sdelay $0x3  }
0x95: {  	_ =	strace s4  }
0x96: {  	s4 =	sld [smem:$0x3FFD];
	_ =	sdelay $0x3  }
0x97: {  	_ =	strace s4  }
0x98: {  	_ =	strace $0x8FFFFFFF  }
0x99: {  	s19 =	sld [smem:$0x3FDB];
	_ =	sdelay $0x1  }
0x9a: {  	s5 =	simm.s32 $_scs_section_size  }
0x9b: {  	s6 =	simm.s32 $_size__tile_overlayer_lowered;
	s7 =	simm.s32 $_tile_overlayer_lowered  }
0x9c: {  	s22 =	simm.s32 $0x1BFF;
	s21 =	sshll.u32 s7, $0x1;
	s4 =	sadd.s32 s5, s19  }
0x9d: {  	s8 =	simm.s32 $0x0;
	s20 =	sshll.u32 s6, $0x1;
	s6 =	sadd.s32 s21, s4  }
0x9e: {  	[timem:s8], [sflag:s22] =	dma.local [hbm:s6], s20  }
0x9f: {  	_ =	swait.ge [sflag:s22], s20  }
0xa0: {  	s5 =	ssub.s32 $0x0, s20;
	[sflag:s22] =	ssyncset.done $0x0  }
0xa1: {  	[sflag:s22] =	ssyncadd.s32 s5;
	_ =	sdelay $0x1  }
0xa2: {  	s23 =	simm.s32 $0x1B8B  }
0xa3: {  	_ =	swait.ge [sflag:s23], $0x1  }
0xa4: {  	[sflag:s23] =	ssyncset.done $0x0  }
0xa5: {  	s25 =	simm.s32 $0x1B8E;
	s24 =	sld [smem:$0x3FFE];
	[sflag:s23] =	ssyncadd.s32 $0xFFFFFFFF  }
0xa6: {  	s26 =	simm.s32 $execute0_lowered;
	[smem:$0x3FD2] =	sst s25  }
0xa7: {  	s6 =	sshll.u32 s26, $0x1;
	_ =	strace $0x80000046;
	[dreg:$0x1] =	wrdreg $0xFFFFFFFF  }
0xa8: {  	s28 =	simm.s32 $_size_execute0_lowered;
	s4 =	sadd.s32 s4, s6;
	[dreg:$0x0] =	wrdreg $0x0  }
0xa9: {  	s6 =	sshll.u32 s28, $0x1;
	[dreg:$0x2] =	wrdreg s4  }
0xaa: {  	[dreg:$0x3] =	wrdreg s6  }
0xab: {  	[dreg:$0x4] =	wrdreg $0xC0  }
0xac: {  	_ =	task [dreg:s8], $0x5FFFF  }
0xad: {  	[dreg:$0x1] =	wrdreg $0xFFFFFFFF  }
0xae: {  	[dreg:$0x0] =	wrdreg $0x60  }
0xaf: {  	[dreg:$0x2] =	wrdreg s18  }
0xb0: {  	[dreg:$0x3] =	wrdreg s2  }
0xb1: {  	[dreg:$0x4] =	wrdreg s24  }
0xb2: {  	[dreg:$0x5] =	wrdreg $0x9  }
0xb3: {  	_ =	task.clear_ibuf [dreg:s8], $0x6FFFF;
	_ =	strace $0x90000046  }
0xb4: {  	s29 =	simm.s32 $0x9;
	_ =	strace $0x80000048  }
0xb5: {  	_ =	swait.ge [sflag:s29], $0x1  }
0xb6: {  	[sflag:s29] =	ssyncadd.s32 $0xFFFFFFFF  }
0xb7: {  	_ =	strace $0x90000048  }
0xb8: {  	_ =	sfence  }
0xb9: {  	s30 =	sld [smem:$0x0];
	_ =	sdelay $0x2  }
0xba: {  	s31 =	sshll.u32 s1, $0xD;
	s1 =	sshrl.u32 s1, $0x2  }
0xbb: {  	s3 =	sand.u32 $0x4000, s31;
	s1 =	sadd.s32 s1, s30  }
0xbc: {  	s0 =	sor.u32 s3, s0;
	s1 =	sshll.u32 s1, $0x11  }
0xbd: {  	s0 =	sor.u32 s1, s0  }
0xbe: {  	s0 =	sadd.s32 $0x8F2B, s0  }
0xbf: {  	[sflag:s0] =	ssyncadd.remote.s32 $0x1  }
0xc0: {  	_ =	sfence.sel $0xFFFF  }
0xc1: {  	[dreg:$0x0] =	wrdreg $0xFFFFFFFF;
	(pc) =	sbr.abs _section_cstart, $3  }
0xc2: {  	[dreg:$0x1] =	wrdreg $0xFFFFFFFF  }
0xc3: {  	_ =	task.clear_ibuf [dreg:s8], $0x2FFFF;
	_ =	strace $0x9FFFFFFF  }
0xc4: {  	(tm) =	ssettm $0x7FFFFFFF  }
0xc5: {  	_ =	shalt  }
tec
execute0_lowered:
.L_overlay_start_1:
0x0: {  	(tag) =	ssettag $0x1  }
0x1: {  	s1 =	rddreg [dreg:$0x0]  }
0x2: {  	s4 =	rddreg [dreg:$0x1]  }
0x3: {  	s5 =	rddreg [dreg:$0x2]  }
0x4: {  	s0 =	rddreg [dreg:$0x3]  }
0x5: {  	s3 =	simm.s32 $0x0;
	s6 =	srdreg.scid;
	s2 =	stileid.u32  }
0x6: {  	s10 =	simm.s32 $0x0;
	s6 =	sand.u32 $0x1, s6;
	s7 =	sshll.u32 s2, $0x1  }
0x7: {  	[smem:$0x7FF] =	sst s3;
	s7 =	sor.u32 s6, s7;
	s6 =	ssub.s32 $0x2, s6  }
0x8: {  	_ =	strace $0x80000047;
	s8 =	sshll.u32 s7, $0xA;
	s9 =	sshrl.u32 s6, $0x1  }
0x9: {  	s7 =	sshll.u32 s7, $0x4;
	s5 =	sadd.s32 s8, s5;
	s6 =	ssub.s32 s6, s9  }
0xa: {  	s4 =	sadd.s32 s4, s7;
	s7 =	simm.s32 $0x1;
	s8 =	simm.s32 $0x1000  }
0xb: {  	s9 =	simm.s32 $0x1080;
	s5 =	sadd.s32 $0xA00, s5;
	s6 =	smax.u32 s6, $0x1  }
.LBB2_1:
0xc: {  	[tilespmem:s3], [sflag:$0x1] =	stream.linear.gather [hbm4b:s1+s3], $0x1000, $0x38;
	[tilespmem:$0x3080] =	vst v63  }
0xd: {  	_ =	swait.ge [sflag:s7], $0x1000  }
0xe: {  	[sflag:s7] =	ssyncset.done $0x0  }
0xf: {  	[sflag:s7] =	ssyncadd.s32 $0xFFFFF000  }
0x10: {  	[tilespmem:s8], [sflag:$0x1] =	stream.linear.gather [hbm4b:s4+s3], $0x80, $0x38;
	[tilespmem:$0x3080] =	vst v63  }
0x11: {  	_ =	swait.ge [sflag:s7], $0x80  }
0x12: {  	[sflag:s7] =	ssyncset.done $0x0  }
0x13: {  	s11 =	simm.s32 $0x40;
	[sflag:s7] =	ssyncadd.s32 $0xFFFFFF80  }
0x14: {  	v0 =	vld [tilespmem:s11+$0xFFFFFFC0];
	_ =	sdelay $0x2  }
0x15: {  	s12 =	sand.u32 $0x1800, s3;
	s13 =	sand.u32 $0x380, s3  }
0x16: {  	s12 =	sor.u32 s13, s12  }
0x17: {  	[tilespmem:s12+$0x1080] =	vst v0  }
0x18: {  	v0 =	vld [tilespmem:$0x1000];
	_ =	sdelay $0x4  }
0x19: {  	[tilespmem:s12+$0x1480] =	vst v0  }
0x1a: {  	v0 =	vld [tilespmem:s11+$0xFFFFFFD0];
	_ =	sdelay $0x4  }
0x1b: {  	[tilespmem:s12+$0x1090] =	vst v0  }
0x1c: {  	v0 =	vld [tilespmem:$0x1010];
	_ =	sdelay $0x4  }
0x1d: {  	[tilespmem:s12+$0x1490] =	vst v0  }
0x1e: {  	v0 =	vld [tilespmem:s11+$0xFFFFFFE0];
	_ =	sdelay $0x4  }
0x1f: {  	[tilespmem:s12+$0x10A0] =	vst v0  }
0x20: {  	v0 =	vld [tilespmem:$0x1020];
	_ =	sdelay $0x4  }
0x21: {  	[tilespmem:s12+$0x14A0] =	vst v0  }
0x22: {  	v0 =	vld [tilespmem:s11+$0xFFFFFFF0];
	_ =	sdelay $0x4  }
0x23: {  	[tilespmem:s12+$0x10B0] =	vst v0  }
0x24: {  	v0 =	vld [tilespmem:$0x1030];
	_ =	sdelay $0x4  }
0x25: {  	[tilespmem:s12+$0x14B0] =	vst v0  }
0x26: {  	v0 =	vld [tilespmem:s11+$0x0];
	_ =	sdelay $0x4  }
0x27: {  	[tilespmem:s12+$0x10C0] =	vst v0  }
0x28: {  	v0 =	vld [tilespmem:$0x1040];
	_ =	sdelay $0x4  }
0x29: {  	[tilespmem:s12+$0x14C0] =	vst v0  }
0x2a: {  	v0 =	vld [tilespmem:s11+$0x10];
	_ =	sdelay $0x4  }
0x2b: {  	[tilespmem:s12+$0x10D0] =	vst v0  }
0x2c: {  	v0 =	vld [tilespmem:$0x1050];
	_ =	sdelay $0x4  }
0x2d: {  	[tilespmem:s12+$0x14D0] =	vst v0  }
0x2e: {  	v0 =	vld [tilespmem:s11+$0x20];
	_ =	sdelay $0x4  }
0x2f: {  	[tilespmem:s12+$0x10E0] =	vst v0  }
0x30: {  	v0 =	vld [tilespmem:$0x1060];
	_ =	sdelay $0x4  }
0x31: {  	[tilespmem:s12+$0x14E0] =	vst v0  }
0x32: {  	v0 =	vld [tilespmem:s11+$0x30];
	_ =	sdelay $0x4  }
0x33: {  	[tilespmem:s12+$0x10F0] =	vst v0  }
0x34: {  	v0 =	vld [tilespmem:$0x1070];
	_ =	sdelay $0x4  }
0x35: {  	s11 =	simm.s32 $0xC0;
	[tilespmem:s12+$0x14F0] =	vst v0  }
0x36: {  	s14 =	simm.s32 $0x100;
	s13 =	simm.s32 $0x0;
	s12 =	simm.s32 $0x80;
	v0 =	vld [tilespmem:s11+$0xFFFFFFC0]  }
.LBB2_2:
0x37: {  	p0 =	sne.s32 s14, $0xF80  }
0x38: {  	s13 =	sadd.s32 $0x100, s13  }
0x39: {  	s16 =	sand.u32 $0x380, s12;
	s12 =	smov.u32 s14;
	s15 =	sand.u32 $0x1800, s13  }
0x3a: {  	s15 =	sor.u32 s16, s15  }
0x3b: {  	[tilespmem:s15+$0x1080] =	vst v0  }
0x3c: {  	v0 =	vld [tilespmem:$0x1000];
	_ =	sdelay $0x4  }
0x3d: {  	[tilespmem:s15+$0x1480] =	vst v0  }
0x3e: {  	v0 =	vld [tilespmem:s11+$0xFFFFFFD0];
	_ =	sdelay $0x4  }
0x3f: {  	[tilespmem:s15+$0x1090] =	vst v0  }
0x40: {  	v0 =	vld [tilespmem:$0x1010];
	_ =	sdelay $0x4  }
0x41: {  	[tilespmem:s15+$0x1490] =	vst v0  }
0x42: {  	v0 =	vld [tilespmem:s11+$0xFFFFFFE0];
	_ =	sdelay $0x4  }
0x43: {  	[tilespmem:s15+$0x10A0] =	vst v0  }
0x44: {  	v0 =	vld [tilespmem:$0x1020];
	_ =	sdelay $0x4  }
0x45: {  	[tilespmem:s15+$0x14A0] =	vst v0  }
0x46: {  	v0 =	vld [tilespmem:s11+$0xFFFFFFF0];
	_ =	sdelay $0x4  }
0x47: {  	[tilespmem:s15+$0x10B0] =	vst v0  }
0x48: {  	v0 =	vld [tilespmem:$0x1030];
	_ =	sdelay $0x4  }
0x49: {  	[tilespmem:s15+$0x14B0] =	vst v0  }
0x4a: {  	v0 =	vld [tilespmem:s11+$0x0];
	_ =	sdelay $0x4  }
0x4b: {  	[tilespmem:s15+$0x10C0] =	vst v0  }
0x4c: {  	v0 =	vld [tilespmem:$0x1040];
	_ =	sdelay $0x4  }
0x4d: {  	[tilespmem:s15+$0x14C0] =	vst v0  }
0x4e: {  	v0 =	vld [tilespmem:s11+$0x10];
	_ =	sdelay $0x4  }
0x4f: {  	[tilespmem:s15+$0x10D0] =	vst v0  }
0x50: {  	v0 =	vld [tilespmem:$0x1050];
	_ =	sdelay $0x4  }
0x51: {  	[tilespmem:s15+$0x14D0] =	vst v0  }
0x52: {  	v0 =	vld [tilespmem:s11+$0x20];
	_ =	sdelay $0x4  }
0x53: {  	[tilespmem:s15+$0x10E0] =	vst v0  }
0x54: {  	v0 =	vld [tilespmem:$0x1060];
	_ =	sdelay $0x4  }
0x55: {  	[tilespmem:s15+$0x14E0] =	vst v0  }
0x56: {  	v0 =	vld [tilespmem:s11+$0x30];
	_ =	sdelay $0x4  }
0x57: {  	[tilespmem:s15+$0x10F0] =	vst v0  }
0x58: {  	v0 =	vld [tilespmem:$0x1070];
	_ =	sdelay $0x1  }
.Ltmp0:
0x59: {  	(pc) =	sbr.rel @p0 .LBB2_2-.Ltmp0, $3  }
0x5a: {  	_ =	sdelay $0x1  }
0x5b: {  	s11 =	sadd.s32 $0x80, s11;
	[tilespmem:s15+$0x14F0] =	vst v0  }
0x5c: {  	s14 =	sadd.s32 $0x80, s14;
	v0 =	vld [tilespmem:s11+$0xFFFFFFC0]  }
0x5d: {  	_ = 	snop  }
0x5e: {  	s13 =	sadd.s32 $0x100, s13  }
0x5f: {  	s12 =	sand.u32 $0x380, s12;
	s13 =	sand.u32 $0x1800, s13  }
0x60: {  	s12 =	sor.u32 s12, s13  }
0x61: {  	[tilespmem:s12+$0x1080] =	vst v0  }
0x62: {  	v0 =	vld [tilespmem:$0x1000];
	_ =	sdelay $0x4  }
0x63: {  	[tilespmem:s12+$0x1480] =	vst v0  }
0x64: {  	v0 =	vld [tilespmem:s11+$0xFFFFFFD0];
	_ =	sdelay $0x4  }
0x65: {  	[tilespmem:s12+$0x1090] =	vst v0  }
0x66: {  	v0 =	vld [tilespmem:$0x1010];
	_ =	sdelay $0x4  }
0x67: {  	[tilespmem:s12+$0x1490] =	vst v0  }
0x68: {  	v0 =	vld [tilespmem:s11+$0xFFFFFFE0];
	_ =	sdelay $0x4  }
0x69: {  	[tilespmem:s12+$0x10A0] =	vst v0  }
0x6a: {  	v0 =	vld [tilespmem:$0x1020];
	_ =	sdelay $0x4  }
0x6b: {  	[tilespmem:s12+$0x14A0] =	vst v0  }
0x6c: {  	v0 =	vld [tilespmem:s11+$0xFFFFFFF0];
	_ =	sdelay $0x4  }
0x6d: {  	[tilespmem:s12+$0x10B0] =	vst v0  }
0x6e: {  	v0 =	vld [tilespmem:$0x1030];
	_ =	sdelay $0x4  }
0x6f: {  	[tilespmem:s12+$0x14B0] =	vst v0  }
0x70: {  	v0 =	vld [tilespmem:s11+$0x0];
	_ =	sdelay $0x4  }
0x71: {  	[tilespmem:s12+$0x10C0] =	vst v0  }
0x72: {  	v0 =	vld [tilespmem:$0x1040];
	_ =	sdelay $0x4  }
0x73: {  	[tilespmem:s12+$0x14C0] =	vst v0  }
0x74: {  	v0 =	vld [tilespmem:s11+$0x10];
	_ =	sdelay $0x4  }
0x75: {  	[tilespmem:s12+$0x10D0] =	vst v0  }
0x76: {  	v0 =	vld [tilespmem:$0x1050];
	_ =	sdelay $0x4  }
0x77: {  	[tilespmem:s12+$0x14D0] =	vst v0  }
0x78: {  	v0 =	vld [tilespmem:s11+$0x20];
	_ =	sdelay $0x4  }
0x79: {  	[tilespmem:s12+$0x10E0] =	vst v0  }
0x7a: {  	v0 =	vld [tilespmem:$0x1060];
	_ =	sdelay $0x4  }
0x7b: {  	[tilespmem:s12+$0x14E0] =	vst v0  }
0x7c: {  	v0 =	vld [tilespmem:s11+$0x30];
	_ =	sdelay $0x4  }
0x7d: {  	[tilespmem:s12+$0x10F0] =	vst v0  }
0x7e: {  	v0 =	vld [tilespmem:$0x1070];
	_ =	sdelay $0x2  }
0x7f: {  	s10 =	sadd.s32 $0x1, s10  }
0x80: {  	p0 =	sne.s32 s10, s6  }
.Ltmp1:
0x81: {  	[tilespmem:s12+$0x14F0] =	vst v0;
	(pc) =	sbr.rel @p0 .LBB2_1-.Ltmp1, $4  }
0x82: {  	[hbm4b:s5+s3] =	stream.linear.scatter [tilespmem:s9], [sflag:$0x1], $0x2000, $0x38;
	[tilespmem:$0x3080] =	vst v63  }
0x83: {  	_ =	swait.ge [sflag:s7], $0x2000  }
0x84: {  	[sflag:s7] =	ssyncset.done $0x0  }
0x85: {  	[sflag:s7] =	ssyncadd.s32 $0xFFFFE000  }
0x86: {  	_ =	sfence.sel $0x180000  }
0x87: {  	[bflag:$0x0] =	sbarrier.arrive $0xFFFF  }
0x88: {  	p0 =	sne.s32 s2, $0x0;
	_ =	strace $0x90000047  }
0x89: {  	s0 =	sadd.s32 @!p0 $0x100000, s0;
	[bflag:$0x2] =	sbarrier.arrive $0xFFFF  }
0x8a: {  	[sflag:s0] =	ssyncadd.tile.s32 @!p0 $0x1;
	_ =	shalt  }
.Lfunc_end2:
_tile_overlayer_lowered:
.L_overlay_start_2:
0x8b: {  	(tag) =	ssettag $0x2  }
0x8c: {  	s0 =	rddreg [dreg:$0x0];
	s2 =	stileid.u32  }
0x8d: {  	s1 =	rddreg [dreg:$0x1];
	p0 =	sne.s32 s2, $0x0  }
0x8e: {  	s3 =	rddreg [dreg:$0x2];
	[bflag:$0x3] =	sbarrier.arrive $0xFFFF;
	s2 =	simm.s32 @!p0 $0x1C01  }
0x8f: {  	[timem:s3], [sflag:s2] =	dma.local @!p0 [hbm:s0], s1  }
0x90: {  	s0 =	simm.s32 @!p0 $0x1  }
0x91: {  	_ =	swait.ge @!p0 [sflag:s0], s1  }
0x92: {  	s1 =	ssub.s32 @!p0 $0x0, s1;
	[sflag:s0] =	ssyncset.done @!p0 $0x0  }
0x93: {  	[sflag:s0] =	ssyncadd.s32 @!p0 s1  }
0x94: {  	[bflag:$0x3] =	sbarrier.arrive $0xFFFF  }
0x95: {  	_ =	shalt  }

</sc_bundles>
